<compile_context>
chip_gen: v7x
topology: tpu7x:2x2x1
jax: 0.10.2.dev20260603
libtpu: 0.0.44.dev20260713+nightly
codegen_flags: <defaults>
</compile_context>

<pallas_src>
import functools

import jax
import jax.numpy as jnp
from jax import lax
from jax.experimental import pallas as pl
from jax.experimental.pallas import tpu as pltpu
from jax.experimental.pallas import tpu_sc as plsc

B = 16384
K = 16
NC = 2
NS = 16
NW = NC * NS
BPW = B // NW
CH = 128
NCH = BPW // CH
G = BPW // 16
TBLK = 128
LW = 1024
LPT = 62
MAXCS = 999040

_mesh = plsc.VectorSubcoreMesh(core_axis_name="c", subcore_axis_name="s")


@functools.partial(
    pl.kernel,
    out_type=jax.ShapeDtypeStruct((NW * 8, 128), jnp.float32),
    mesh=_mesh,
    scratch_types=[
        pltpu.VMEM((NCH, CH), jnp.int32),
        pltpu.VMEM((NCH, CH), jnp.int32),
        pltpu.VMEM((4 * K, LW), jnp.float32),
        pltpu.VMEM((8, 128), jnp.float32),
        pltpu.SemaphoreType.DMA,
    ],
    compiler_params=pltpu.CompilerParams(
        needs_layout_passes=False, use_tc_tiling_on_sc=True),
)
def _probe(uid2d, iid2d, umat_t, imat_t, out, uidx, iidx, ring, outv, sem):
    core = lax.axis_index("c")
    tid = lax.axis_index("s")
    wid = tid * NC + core
    lane = lax.iota(jnp.int32, 16)
    pltpu.sync_copy(uid2d.at[pl.ds(wid * NCH, NCH)], uidx)
    pltpu.sync_copy(iid2d.at[pl.ds(wid * NCH, NCH)], iidx)
    lo = tid * LPT

    def body(tab):
        def fire(l):
            cs = pl.multiple_of(jnp.minimum((lo + l) * LW, MAXCS), 128)
            slot = pl.multiple_of(lax.rem(l, 4) * K, 8)
            pltpu.async_copy(
                tab.at[:, pl.ds(cs, LW)], ring.at[pl.ds(slot, K)], sem)

        for l in range(4):
            fire(l)

        def leaf(l, acc):
            pltpu.make_async_copy(
                tab.at[:, pl.ds(0, LW)], ring.at[pl.ds(0, K)], sem).wait()

            @pl.when(l + 4 < LPT)
            def _():
                fire(l + 4)

            slot = lax.rem(l, 4) * K
            return acc + plsc.load_gather(
                ring, [slot + lane, jnp.full((16,), 0, jnp.int32)])

        return lax.fori_loop(0, LPT, leaf, jnp.zeros((16,), jnp.float32))

    accu = jnp.zeros((16,), jnp.float32)

    @pl.when(core == 0)
    def _():
        outv[0, pl.ds(0, 16)] = body(umat_t) * 0.0

    @pl.when(core == 1)
    def _():
        outv[0, pl.ds(0, 16)] = body(imat_t) * 0.0

    def zrow(r, _):
        outv[r, pl.ds(0, 16)] = jnp.zeros((16,), jnp.float32)
        return 0

    lax.fori_loop(0, 8, zrow, 0)
    pltpu.sync_copy(outv, out.at[pl.ds(wid * 8, 8)])


def kernel(uid, iid, user_mat, item_mat):
    uid2d = uid.astype(jnp.int32).reshape((B // CH, CH))
    iid2d = iid.astype(jnp.int32).reshape((B // CH, CH))
    padded = _probe(uid2d, iid2d, user_mat.T, item_mat.T)
    return padded.reshape(NW, 8, 128)[:, :4, :].reshape(B)

# --- scband reference (transcript-rebuilt; emitter-appended) ---
"""Pipeline reference for scband-bpr-13451837571110 (READ-ONLY COPY).

The authoritative reference and input builder live on the scoring server;
editing this copy changes nothing except your own understanding.
"""

import jax, jax.numpy as jnp
import numpy as np

N_USER = 1000000
N_ITEM = 1000000
K = 16
BATCH = 16384


def setup_inputs(seed: int = 0) -> dict:
    key = jax.random.key(seed)
    k_uid, k_iid, k_um, k_im = jax.random.split(key, 4)
    uid = jax.random.randint(k_uid, (BATCH,), 0, N_USER, dtype=jnp.int64) if jax.config.jax_enable_x64 else jax.random.randint(k_uid, (BATCH,), 0, N_USER, dtype=jnp.int32)
    iid = jax.random.randint(k_iid, (BATCH,), 0, N_ITEM, dtype=jnp.int32)
    uid = jax.random.randint(k_uid, (BATCH,), 0, N_USER, dtype=jnp.int32)
    user_mat = jax.random.normal(k_um, (N_USER, K), dtype=jnp.float32) * 0.01
    item_mat = jax.random.normal(k_im, (N_ITEM, K), dtype=jnp.float32) * 0.01
    return {"uid": uid, "iid": iid, "user_mat": user_mat, "item_mat": item_mat}


def reference(uid, iid, user_mat, item_mat):
    # BPR forward: elementwise product of gathered user/item embeddings, summed over embed dim
    u = jnp.take(user_mat, uid, axis=0)  # [B, K] gather
    v = jnp.take(item_mat, iid, axis=0)  # [B, K] gather
    return (u * v).sum(axis=1)  # [B]

if __name__ == "__main__":
    import jax
    _d = setup_inputs()
    print(jax.jit(kernel)(*tuple(_d.values())))

</pallas_src>

<mosaic_0001>
#map = affine_map<(d0, d1) -> (0, 0)>
module attributes {stable_mosaic.version = 14 : i64} {
  func.func @_probe(%arg0: i32, %arg1: i32, %arg2: memref<128x128xi32, #tpu.memory_space<hbm>>, %arg3: memref<128x128xi32, #tpu.memory_space<hbm>>, %arg4: memref<16x1000000xf32, #tpu.memory_space<hbm>>, %arg5: memref<16x1000000xf32, #tpu.memory_space<hbm>>, %arg6: memref<256x128xf32, #tpu.memory_space<hbm>>, %arg7: memref<4x128xi32, #tpu.memory_space<vmem>>, %arg8: memref<4x128xi32, #tpu.memory_space<vmem>>, %arg9: memref<64x1024xf32, #tpu.memory_space<vmem>>, %arg10: memref<8x128xf32, #tpu.memory_space<vmem>>, %arg11: memref<!tpu.dma_semaphore, #tpu.memory_space<semaphore_mem>>) attributes {dimension_semantics = [#tpu.dimension_semantics<core_parallel>, #tpu.dimension_semantics<subcore_parallel>], iteration_bounds = array<i64: 2, 16>, scalar_prefetch = 0 : i64, scratch_operands = 5 : i64, tpu.core_type = #tpu.core_type<sc_vector_subcore>, window_params = [{transform_indices = #map}, {transform_indices = #map}, {transform_indices = #map}, {transform_indices = #map}, {transform_indices = #map}]} {
    %mul3A = arith.constant 2 : i32
    %mul3A_0 = arith.muli %arg1, %mul3A : i32
    %add3A = arith.addi %mul3A_0, %arg0 : i32
    %iota3A = tpu.iota {dimensions = array<i32: 0>} : vector<16xi32>
    %mul3A_1 = arith.constant 4 : i32
    %mul3A_2 = arith.muli %add3A, %mul3A_1 : i32
    "tpu.region"() ({
      %run_scoped3A = tpu.sem_alloc : memref<!tpu.dma_semaphore, #tpu.memory_space<semaphore_mem>>
      %dma_start3A = arith.constant 0 : i32
      %dma_start3A_23 = tpu.memref_slice %arg2[%mul3A_2, %dma_start3A] : memref<128x128xi32, #tpu.memory_space<hbm>> -> memref<4x128xi32, #tpu.memory_space<hbm>>
      %dma_start3A_24 = arith.constant 0 : i32
      %dma_start3A_25 = tpu.memref_slice %arg2[%mul3A_2, %dma_start3A_24] : memref<128x128xi32, #tpu.memory_space<hbm>> -> memref<4x128xi32, #tpu.memory_space<hbm>>
      tpu.enqueue_dma source(%dma_start3A_25 : memref<4x128xi32, #tpu.memory_space<hbm>>) target(%arg7 : memref<4x128xi32, #tpu.memory_space<vmem>>) target_semaphore(%run_scoped3A : memref<!tpu.dma_semaphore, #tpu.memory_space<semaphore_mem>>)
      %dma_wait3A = arith.constant 0 : i32
      %dma_wait3A_26 = tpu.memref_slice %arg2[%mul3A_2, %dma_wait3A] : memref<128x128xi32, #tpu.memory_space<hbm>> -> memref<4x128xi32, #tpu.memory_space<hbm>>
      %dma_wait3A_27 = arith.constant 0 : i32
      %dma_wait3A_28 = tpu.memref_slice %arg2[%mul3A_2, %dma_wait3A_27] : memref<128x128xi32, #tpu.memory_space<hbm>> -> memref<4x128xi32, #tpu.memory_space<hbm>>
      tpu.wait_dma2 semaphore(%run_scoped3A : memref<!tpu.dma_semaphore, #tpu.memory_space<semaphore_mem>>) src(%dma_wait3A_28 : memref<4x128xi32, #tpu.memory_space<hbm>>) dst(%arg7 : memref<4x128xi32, #tpu.memory_space<vmem>>)
      tpu.yield
    }) : () -> ()
    %mul3A_3 = arith.constant 4 : i32
    %mul3A_4 = arith.muli %add3A, %mul3A_3 : i32
    "tpu.region"() ({
      %run_scoped3A = tpu.sem_alloc : memref<!tpu.dma_semaphore, #tpu.memory_space<semaphore_mem>>
      %dma_start3A = arith.constant 0 : i32
      %dma_start3A_23 = tpu.memref_slice %arg3[%mul3A_4, %dma_start3A] : memref<128x128xi32, #tpu.memory_space<hbm>> -> memref<4x128xi32, #tpu.memory_space<hbm>>
      %dma_start3A_24 = arith.constant 0 : i32
      %dma_start3A_25 = tpu.memref_slice %arg3[%mul3A_4, %dma_start3A_24] : memref<128x128xi32, #tpu.memory_space<hbm>> -> memref<4x128xi32, #tpu.memory_space<hbm>>
      tpu.enqueue_dma source(%dma_start3A_25 : memref<4x128xi32, #tpu.memory_space<hbm>>) target(%arg8 : memref<4x128xi32, #tpu.memory_space<vmem>>) target_semaphore(%run_scoped3A : memref<!tpu.dma_semaphore, #tpu.memory_space<semaphore_mem>>)
      %dma_wait3A = arith.constant 0 : i32
      %dma_wait3A_26 = tpu.memref_slice %arg3[%mul3A_4, %dma_wait3A] : memref<128x128xi32, #tpu.memory_space<hbm>> -> memref<4x128xi32, #tpu.memory_space<hbm>>
      %dma_wait3A_27 = arith.constant 0 : i32
      %dma_wait3A_28 = tpu.memref_slice %arg3[%mul3A_4, %dma_wait3A_27] : memref<128x128xi32, #tpu.memory_space<hbm>> -> memref<4x128xi32, #tpu.memory_space<hbm>>
      tpu.wait_dma2 semaphore(%run_scoped3A : memref<!tpu.dma_semaphore, #tpu.memory_space<semaphore_mem>>) src(%dma_wait3A_28 : memref<4x128xi32, #tpu.memory_space<hbm>>) dst(%arg8 : memref<4x128xi32, #tpu.memory_space<vmem>>)
      tpu.yield
    }) : () -> ()
    %mul3A_5 = arith.constant 62 : i32
    %mul3A_6 = arith.muli %arg1, %mul3A_5 : i32
    %broadcast_in_dim3A = arith.constant 0.000000e+00 : f32
    %broadcast_in_dim3A_7 = vector.broadcast %broadcast_in_dim3A : f32 to vector<16xf32>
    %eq3A = arith.constant 0 : i32
    %eq3A_8 = arith.cmpi eq, %arg0, %eq3A : i32
    %convert_element_type3A = arith.extui %eq3A_8 : i1 to i32
    %cond3A = arith.constant 0 : i32
    %cond3A_9 = arith.cmpi ne, %convert_element_type3A, %cond3A : i32
    scf.if %cond3A_9 {
      %add3A_23 = arith.constant 0 : i32
      %add3A_24 = arith.addi %mul3A_6, %add3A_23 : i32
      %mul3A_25 = arith.constant 1024 : i32
      %mul3A_26 = arith.muli %add3A_24, %mul3A_25 : i32
      %min3A = arith.constant 999040 : i32
      %min3A_27 = arith.minsi %mul3A_26, %min3A : i32
      %multiple_of3A = tpu.assume_multiple %min3A_27, 128 : i32
      %rem3A = arith.constant 0 : i32
      %rem3A_28 = arith.constant 4 : i32
      %rem3A_29 = arith.remsi %rem3A, %rem3A_28 : i32
      %mul3A_30 = arith.constant 16 : i32
      %mul3A_31 = arith.muli %rem3A_29, %mul3A_30 : i32
      %multiple_of3A_32 = tpu.assume_multiple %mul3A_31, 8 : i32
      %dma_start3A = arith.constant 0 : i32
      %dma_start3A_33 = tpu.memref_slice %arg9[%multiple_of3A_32, %dma_start3A] : memref<64x1024xf32, #tpu.memory_space<vmem>> -> memref<16x1024xf32, #tpu.memory_space<vmem>>
      %dma_start3A_34 = arith.constant 0 : i32
      %dma_start3A_35 = tpu.memref_slice %arg4[%dma_start3A_34, %multiple_of3A] : memref<16x1000000xf32, #tpu.memory_space<hbm>> -> memref<16x1024xf32, #tpu.memory_space<hbm>>
      %dma_start3A_36 = arith.constant 0 : i32
      %dma_start3A_37 = tpu.memref_slice %arg9[%multiple_of3A_32, %dma_start3A_36] : memref<64x1024xf32, #tpu.memory_space<vmem>> -> memref<16x1024xf32, #tpu.memory_space<vmem>>
      %dma_start3A_38 = arith.constant 0 : i32
      %dma_start3A_39 = tpu.memref_slice %arg4[%dma_start3A_38, %multiple_of3A] : memref<16x1000000xf32, #tpu.memory_space<hbm>> -> memref<16x1024xf32, #tpu.memory_space<hbm>>
      tpu.enqueue_dma source(%dma_start3A_39 : memref<16x1024xf32, #tpu.memory_space<hbm>>) target(%dma_start3A_37 : memref<16x1024xf32, #tpu.memory_space<vmem>>) target_semaphore(%arg11 : memref<!tpu.dma_semaphore, #tpu.memory_space<semaphore_mem>>)
      %add3A_40 = arith.constant 1 : i32
      %add3A_41 = arith.addi %mul3A_6, %add3A_40 : i32
      %mul3A_42 = arith.constant 1024 : i32
      %mul3A_43 = arith.muli %add3A_41, %mul3A_42 : i32
      %min3A_44 = arith.constant 999040 : i32
      %min3A_45 = arith.minsi %mul3A_43, %min3A_44 : i32
      %multiple_of3A_46 = tpu.assume_multiple %min3A_45, 128 : i32
      %rem3A_47 = arith.constant 1 : i32
      %rem3A_48 = arith.constant 4 : i32
      %rem3A_49 = arith.remsi %rem3A_47, %rem3A_48 : i32
      %mul3A_50 = arith.constant 16 : i32
      %mul3A_51 = arith.muli %rem3A_49, %mul3A_50 : i32
      %multiple_of3A_52 = tpu.assume_multiple %mul3A_51, 8 : i32
      %dma_start3A_53 = arith.constant 0 : i32
      %dma_start3A_54 = tpu.memref_slice %arg9[%multiple_of3A_52, %dma_start3A_53] : memref<64x1024xf32, #tpu.memory_space<vmem>> -> memref<16x1024xf32, #tpu.memory_space<vmem>>
      %dma_start3A_55 = arith.constant 0 : i32
      %dma_start3A_56 = tpu.memref_slice %arg4[%dma_start3A_55, %multiple_of3A_46] : memref<16x1000000xf32, #tpu.memory_space<hbm>> -> memref<16x1024xf32, #tpu.memory_space<hbm>>
      %dma_start3A_57 = arith.constant 0 : i32
      %dma_start3A_58 = tpu.memref_slice %arg9[%multiple_of3A_52, %dma_start3A_57] : memref<64x1024xf32, #tpu.memory_space<vmem>> -> memref<16x1024xf32, #tpu.memory_space<vmem>>
      %dma_start3A_59 = arith.constant 0 : i32
      %dma_start3A_60 = tpu.memref_slice %arg4[%dma_start3A_59, %multiple_of3A_46] : memref<16x1000000xf32, #tpu.memory_space<hbm>> -> memref<16x1024xf32, #tpu.memory_space<hbm>>
      tpu.enqueue_dma source(%dma_start3A_60 : memref<16x1024xf32, #tpu.memory_space<hbm>>) target(%dma_start3A_58 : memref<16x1024xf32, #tpu.memory_space<vmem>>) target_semaphore(%arg11 : memref<!tpu.dma_semaphore, #tpu.memory_space<semaphore_mem>>)
      %add3A_61 = arith.constant 2 : i32
      %add3A_62 = arith.addi %mul3A_6, %add3A_61 : i32
      %mul3A_63 = arith.constant 1024 : i32
      %mul3A_64 = arith.muli %add3A_62, %mul3A_63 : i32
      %min3A_65 = arith.constant 999040 : i32
      %min3A_66 = arith.minsi %mul3A_64, %min3A_65 : i32
      %multiple_of3A_67 = tpu.assume_multiple %min3A_66, 128 : i32
      %rem3A_68 = arith.constant 2 : i32
      %rem3A_69 = arith.constant 4 : i32
      %rem3A_70 = arith.remsi %rem3A_68, %rem3A_69 : i32
      %mul3A_71 = arith.constant 16 : i32
      %mul3A_72 = arith.muli %rem3A_70, %mul3A_71 : i32
      %multiple_of3A_73 = tpu.assume_multiple %mul3A_72, 8 : i32
      %dma_start3A_74 = arith.constant 0 : i32
      %dma_start3A_75 = tpu.memref_slice %arg9[%multiple_of3A_73, %dma_start3A_74] : memref<64x1024xf32, #tpu.memory_space<vmem>> -> memref<16x1024xf32, #tpu.memory_space<vmem>>
      %dma_start3A_76 = arith.constant 0 : i32
      %dma_start3A_77 = tpu.memref_slice %arg4[%dma_start3A_76, %multiple_of3A_67] : memref<16x1000000xf32, #tpu.memory_space<hbm>> -> memref<16x1024xf32, #tpu.memory_space<hbm>>
      %dma_start3A_78 = arith.constant 0 : i32
      %dma_start3A_79 = tpu.memref_slice %arg9[%multiple_of3A_73, %dma_start3A_78] : memref<64x1024xf32, #tpu.memory_space<vmem>> -> memref<16x1024xf32, #tpu.memory_space<vmem>>
      %dma_start3A_80 = arith.constant 0 : i32
      %dma_start3A_81 = tpu.memref_slice %arg4[%dma_start3A_80, %multiple_of3A_67] : memref<16x1000000xf32, #tpu.memory_space<hbm>> -> memref<16x1024xf32, #tpu.memory_space<hbm>>
      tpu.enqueue_dma source(%dma_start3A_81 : memref<16x1024xf32, #tpu.memory_space<hbm>>) target(%dma_start3A_79 : memref<16x1024xf32, #tpu.memory_space<vmem>>) target_semaphore(%arg11 : memref<!tpu.dma_semaphore, #tpu.memory_space<semaphore_mem>>)
      %add3A_82 = arith.constant 3 : i32
      %add3A_83 = arith.addi %mul3A_6, %add3A_82 : i32
      %mul3A_84 = arith.constant 1024 : i32
      %mul3A_85 = arith.muli %add3A_83, %mul3A_84 : i32
      %min3A_86 = arith.constant 999040 : i32
      %min3A_87 = arith.minsi %mul3A_85, %min3A_86 : i32
      %multiple_of3A_88 = tpu.assume_multiple %min3A_87, 128 : i32
      %rem3A_89 = arith.constant 3 : i32
      %rem3A_90 = arith.constant 4 : i32
      %rem3A_91 = arith.remsi %rem3A_89, %rem3A_90 : i32
      %mul3A_92 = arith.constant 16 : i32
      %mul3A_93 = arith.muli %rem3A_91, %mul3A_92 : i32
      %multiple_of3A_94 = tpu.assume_multiple %mul3A_93, 8 : i32
      %dma_start3A_95 = arith.constant 0 : i32
      %dma_start3A_96 = tpu.memref_slice %arg9[%multiple_of3A_94, %dma_start3A_95] : memref<64x1024xf32, #tpu.memory_space<vmem>> -> memref<16x1024xf32, #tpu.memory_space<vmem>>
      %dma_start3A_97 = arith.constant 0 : i32
      %dma_start3A_98 = tpu.memref_slice %arg4[%dma_start3A_97, %multiple_of3A_88] : memref<16x1000000xf32, #tpu.memory_space<hbm>> -> memref<16x1024xf32, #tpu.memory_space<hbm>>
      %dma_start3A_99 = arith.constant 0 : i32
      %dma_start3A_100 = tpu.memref_slice %arg9[%multiple_of3A_94, %dma_start3A_99] : memref<64x1024xf32, #tpu.memory_space<vmem>> -> memref<16x1024xf32, #tpu.memory_space<vmem>>
      %dma_start3A_101 = arith.constant 0 : i32
      %dma_start3A_102 = tpu.memref_slice %arg4[%dma_start3A_101, %multiple_of3A_88] : memref<16x1000000xf32, #tpu.memory_space<hbm>> -> memref<16x1024xf32, #tpu.memory_space<hbm>>
      tpu.enqueue_dma source(%dma_start3A_102 : memref<16x1024xf32, #tpu.memory_space<hbm>>) target(%dma_start3A_100 : memref<16x1024xf32, #tpu.memory_space<vmem>>) target_semaphore(%arg11 : memref<!tpu.dma_semaphore, #tpu.memory_space<semaphore_mem>>)
      %broadcast_in_dim3A_103 = arith.constant 0.000000e+00 : f32
      %broadcast_in_dim3A_104 = vector.broadcast %broadcast_in_dim3A_103 : f32 to vector<16xf32>
      %scan3A_105 = arith.constant 0 : i32
      %scan3A_106 = arith.constant 62 : i32
      %scan3A_107 = arith.addi %scan3A_105, %scan3A_106 : i32
      %scan3A_108 = arith.constant 1 : i32
      %scan3A_109 = scf.for %scan3A_117 = %scan3A_105 to %scan3A_107 step %scan3A_108 iter_args(%scan3A_118 = %broadcast_in_dim3A_104) -> (vector<16xf32>)  : i32 {
        %dma_wait3A = arith.constant 0 : i32
        %dma_wait3A_119 = arith.constant 0 : i32
        %dma_wait3A_120 = tpu.memref_slice %arg9[%dma_wait3A, %dma_wait3A_119] : memref<64x1024xf32, #tpu.memory_space<vmem>> -> memref<16x1024xf32, #tpu.memory_space<vmem>>
        %dma_wait3A_121 = arith.constant 0 : i32
        %dma_wait3A_122 = arith.constant 0 : i32
        %dma_wait3A_123 = tpu.memref_slice %arg4[%dma_wait3A_121, %dma_wait3A_122] : memref<16x1000000xf32, #tpu.memory_space<hbm>> -> memref<16x1024xf32, #tpu.memory_space<hbm>>
        %dma_wait3A_124 = arith.constant 0 : i32
        %dma_wait3A_125 = arith.constant 0 : i32
        %dma_wait3A_126 = tpu.memref_slice %arg9[%dma_wait3A_124, %dma_wait3A_125] : memref<64x1024xf32, #tpu.memory_space<vmem>> -> memref<16x1024xf32, #tpu.memory_space<vmem>>
        %dma_wait3A_127 = arith.constant 0 : i32
        %dma_wait3A_128 = arith.constant 0 : i32
        %dma_wait3A_129 = tpu.memref_slice %arg4[%dma_wait3A_127, %dma_wait3A_128] : memref<16x1000000xf32, #tpu.memory_space<hbm>> -> memref<16x1024xf32, #tpu.memory_space<hbm>>
        tpu.wait_dma2 semaphore(%arg11 : memref<!tpu.dma_semaphore, #tpu.memory_space<semaphore_mem>>) src(%dma_wait3A_129 : memref<16x1024xf32, #tpu.memory_space<hbm>>) dst(%dma_wait3A_126 : memref<16x1024xf32, #tpu.memory_space<vmem>>)
        %add3A_130 = arith.constant 4 : i32
        %add3A_131 = arith.addi %scan3A_117, %add3A_130 : i32
        %lt3A = arith.constant 62 : i32
        %lt3A_132 = arith.cmpi slt, %add3A_131, %lt3A : i32
        %convert_element_type3A_133 = arith.extui %lt3A_132 : i1 to i32
        %cond3A_134 = arith.constant 0 : i32
        %cond3A_135 = arith.cmpi ne, %convert_element_type3A_133, %cond3A_134 : i32
        scf.if %cond3A_135 {
          %add3A_145 = arith.constant 4 : i32
          %add3A_146 = arith.addi %scan3A_117, %add3A_145 : i32
          %add3A_147 = arith.addi %mul3A_6, %add3A_146 : i32
          %mul3A_148 = arith.constant 1024 : i32
          %mul3A_149 = arith.muli %add3A_147, %mul3A_148 : i32
          %min3A_150 = arith.constant 999040 : i32
          %min3A_151 = arith.minsi %mul3A_149, %min3A_150 : i32
          %multiple_of3A_152 = tpu.assume_multiple %min3A_151, 128 : i32
          %rem3A_153 = arith.constant 4 : i32
          %rem3A_154 = arith.remsi %add3A_146, %rem3A_153 : i32
          %mul3A_155 = arith.constant 16 : i32
          %mul3A_156 = arith.muli %rem3A_154, %mul3A_155 : i32
          %multiple_of3A_157 = tpu.assume_multiple %mul3A_156, 8 : i32
          %dma_start3A_158 = arith.constant 0 : i32
          %dma_start3A_159 = tpu.memref_slice %arg9[%multiple_of3A_157, %dma_start3A_158] : memref<64x1024xf32, #tpu.memory_space<vmem>> -> memref<16x1024xf32, #tpu.memory_space<vmem>>
          %dma_start3A_160 = arith.constant 0 : i32
          %dma_start3A_161 = tpu.memref_slice %arg4[%dma_start3A_160, %multiple_of3A_152] : memref<16x1000000xf32, #tpu.memory_space<hbm>> -> memref<16x1024xf32, #tpu.memory_space<hbm>>
          %dma_start3A_162 = arith.constant 0 : i32
          %dma_start3A_163 = tpu.memref_slice %arg9[%multiple_of3A_157, %dma_start3A_162] : memref<64x1024xf32, #tpu.memory_space<vmem>> -> memref<16x1024xf32, #tpu.memory_space<vmem>>
          %dma_start3A_164 = arith.constant 0 : i32
          %dma_start3A_165 = tpu.memref_slice %arg4[%dma_start3A_164, %multiple_of3A_152] : memref<16x1000000xf32, #tpu.memory_space<hbm>> -> memref<16x1024xf32, #tpu.memory_space<hbm>>
          tpu.enqueue_dma source(%dma_start3A_165 : memref<16x1024xf32, #tpu.memory_space<hbm>>) target(%dma_start3A_163 : memref<16x1024xf32, #tpu.memory_space<vmem>>) target_semaphore(%arg11 : memref<!tpu.dma_semaphore, #tpu.memory_space<semaphore_mem>>)
        } else {
        }
        %rem3A_136 = arith.constant 4 : i32
        %rem3A_137 = arith.remsi %scan3A_117, %rem3A_136 : i32
        %mul3A_138 = arith.constant 16 : i32
        %mul3A_139 = arith.muli %rem3A_137, %mul3A_138 : i32
        %add3A_140 = vector.broadcast %mul3A_139 : i32 to vector<16xi32>
        %add3A_141 = arith.addi %add3A_140, %iota3A : vector<16xi32>
        %broadcast_in_dim3A_142 = arith.constant 0 : i32
        %broadcast_in_dim3A_143 = vector.broadcast %broadcast_in_dim3A_142 : i32 to vector<16xi32>
        %gather3A = tpu.vector_load_idx %arg9[%add3A_141, %broadcast_in_dim3A_143] : memref<64x1024xf32, #tpu.memory_space<vmem>>[vector<16xi32>, vector<16xi32>], vector<16xf32>,
        %add3A_144 = arith.addf %scan3A_118, %gather3A : vector<16xf32>
        scf.yield %add3A_144 : vector<16xf32>
      }
      %scan3A_110 = arith.constant 62 : i32
      %mul3A_111 = arith.constant 0.000000e+00 : f32
      %mul3A_112 = vector.broadcast %mul3A_111 : f32 to vector<16xf32>
      %mul3A_113 = arith.mulf %scan3A_109, %mul3A_112 : vector<16xf32>
      %swap3A = arith.constant 0 : i32
      %swap3A_114 = arith.index_cast %swap3A : i32 to index
      %swap3A_115 = arith.constant 0 : index
      %swap3A_116 = tpu.vector_load %arg10[%swap3A_114, %swap3A_115] {strides = array<i32>} : memref<8x128xf32, #tpu.memory_space<vmem>>, vector<16xf32>,
      tpu.vector_store %arg10[%swap3A_114, %swap3A_115], %mul3A_113 {strides = array<i32>} : memref<8x128xf32, #tpu.memory_space<vmem>>, vector<16xf32>,
    } else {
    }
    %eq3A_10 = arith.constant 1 : i32
    %eq3A_11 = arith.cmpi eq, %arg0, %eq3A_10 : i32
    %convert_element_type3A_12 = arith.extui %eq3A_11 : i1 to i32
    %cond3A_13 = arith.constant 0 : i32
    %cond3A_14 = arith.cmpi ne, %convert_element_type3A_12, %cond3A_13 : i32
    scf.if %cond3A_14 {
      %add3A_23 = arith.constant 0 : i32
      %add3A_24 = arith.addi %mul3A_6, %add3A_23 : i32
      %mul3A_25 = arith.constant 1024 : i32
      %mul3A_26 = arith.muli %add3A_24, %mul3A_25 : i32
      %min3A = arith.constant 999040 : i32
      %min3A_27 = arith.minsi %mul3A_26, %min3A : i32
      %multiple_of3A = tpu.assume_multiple %min3A_27, 128 : i32
      %rem3A = arith.constant 0 : i32
      %rem3A_28 = arith.constant 4 : i32
      %rem3A_29 = arith.remsi %rem3A, %rem3A_28 : i32
      %mul3A_30 = arith.constant 16 : i32
      %mul3A_31 = arith.muli %rem3A_29, %mul3A_30 : i32
      %multiple_of3A_32 = tpu.assume_multiple %mul3A_31, 8 : i32
      %dma_start3A = arith.constant 0 : i32
      %dma_start3A_33 = tpu.memref_slice %arg9[%multiple_of3A_32, %dma_start3A] : memref<64x1024xf32, #tpu.memory_space<vmem>> -> memref<16x1024xf32, #tpu.memory_space<vmem>>
      %dma_start3A_34 = arith.constant 0 : i32
      %dma_start3A_35 = tpu.memref_slice %arg5[%dma_start3A_34, %multiple_of3A] : memref<16x1000000xf32, #tpu.memory_space<hbm>> -> memref<16x1024xf32, #tpu.memory_space<hbm>>
      %dma_start3A_36 = arith.constant 0 : i32
      %dma_start3A_37 = tpu.memref_slice %arg9[%multiple_of3A_32, %dma_start3A_36] : memref<64x1024xf32, #tpu.memory_space<vmem>> -> memref<16x1024xf32, #tpu.memory_space<vmem>>
      %dma_start3A_38 = arith.constant 0 : i32
      %dma_start3A_39 = tpu.memref_slice %arg5[%dma_start3A_38, %multiple_of3A] : memref<16x1000000xf32, #tpu.memory_space<hbm>> -> memref<16x1024xf32, #tpu.memory_space<hbm>>
      tpu.enqueue_dma source(%dma_start3A_39 : memref<16x1024xf32, #tpu.memory_space<hbm>>) target(%dma_start3A_37 : memref<16x1024xf32, #tpu.memory_space<vmem>>) target_semaphore(%arg11 : memref<!tpu.dma_semaphore, #tpu.memory_space<semaphore_mem>>)
      %add3A_40 = arith.constant 1 : i32
      %add3A_41 = arith.addi %mul3A_6, %add3A_40 : i32
      %mul3A_42 = arith.constant 1024 : i32
      %mul3A_43 = arith.muli %add3A_41, %mul3A_42 : i32
      %min3A_44 = arith.constant 999040 : i32
      %min3A_45 = arith.minsi %mul3A_43, %min3A_44 : i32
      %multiple_of3A_46 = tpu.assume_multiple %min3A_45, 128 : i32
      %rem3A_47 = arith.constant 1 : i32
      %rem3A_48 = arith.constant 4 : i32
      %rem3A_49 = arith.remsi %rem3A_47, %rem3A_48 : i32
      %mul3A_50 = arith.constant 16 : i32
      %mul3A_51 = arith.muli %rem3A_49, %mul3A_50 : i32
      %multiple_of3A_52 = tpu.assume_multiple %mul3A_51, 8 : i32
      %dma_start3A_53 = arith.constant 0 : i32
      %dma_start3A_54 = tpu.memref_slice %arg9[%multiple_of3A_52, %dma_start3A_53] : memref<64x1024xf32, #tpu.memory_space<vmem>> -> memref<16x1024xf32, #tpu.memory_space<vmem>>
      %dma_start3A_55 = arith.constant 0 : i32
      %dma_start3A_56 = tpu.memref_slice %arg5[%dma_start3A_55, %multiple_of3A_46] : memref<16x1000000xf32, #tpu.memory_space<hbm>> -> memref<16x1024xf32, #tpu.memory_space<hbm>>
      %dma_start3A_57 = arith.constant 0 : i32
      %dma_start3A_58 = tpu.memref_slice %arg9[%multiple_of3A_52, %dma_start3A_57] : memref<64x1024xf32, #tpu.memory_space<vmem>> -> memref<16x1024xf32, #tpu.memory_space<vmem>>
      %dma_start3A_59 = arith.constant 0 : i32
      %dma_start3A_60 = tpu.memref_slice %arg5[%dma_start3A_59, %multiple_of3A_46] : memref<16x1000000xf32, #tpu.memory_space<hbm>> -> memref<16x1024xf32, #tpu.memory_space<hbm>>
      tpu.enqueue_dma source(%dma_start3A_60 : memref<16x1024xf32, #tpu.memory_space<hbm>>) target(%dma_start3A_58 : memref<16x1024xf32, #tpu.memory_space<vmem>>) target_semaphore(%arg11 : memref<!tpu.dma_semaphore, #tpu.memory_space<semaphore_mem>>)
      %add3A_61 = arith.constant 2 : i32
      %add3A_62 = arith.addi %mul3A_6, %add3A_61 : i32
      %mul3A_63 = arith.constant 1024 : i32
      %mul3A_64 = arith.muli %add3A_62, %mul3A_63 : i32
      %min3A_65 = arith.constant 999040 : i32
      %min3A_66 = arith.minsi %mul3A_64, %min3A_65 : i32
      %multiple_of3A_67 = tpu.assume_multiple %min3A_66, 128 : i32
      %rem3A_68 = arith.constant 2 : i32
      %rem3A_69 = arith.constant 4 : i32
      %rem3A_70 = arith.remsi %rem3A_68, %rem3A_69 : i32
      %mul3A_71 = arith.constant 16 : i32
      %mul3A_72 = arith.muli %rem3A_70, %mul3A_71 : i32
      %multiple_of3A_73 = tpu.assume_multiple %mul3A_72, 8 : i32
      %dma_start3A_74 = arith.constant 0 : i32
      %dma_start3A_75 = tpu.memref_slice %arg9[%multiple_of3A_73, %dma_start3A_74] : memref<64x1024xf32, #tpu.memory_space<vmem>> -> memref<16x1024xf32, #tpu.memory_space<vmem>>
      %dma_start3A_76 = arith.constant 0 : i32
      %dma_start3A_77 = tpu.memref_slice %arg5[%dma_start3A_76, %multiple_of3A_67] : memref<16x1000000xf32, #tpu.memory_space<hbm>> -> memref<16x1024xf32, #tpu.memory_space<hbm>>
      %dma_start3A_78 = arith.constant 0 : i32
      %dma_start3A_79 = tpu.memref_slice %arg9[%multiple_of3A_73, %dma_start3A_78] : memref<64x1024xf32, #tpu.memory_space<vmem>> -> memref<16x1024xf32, #tpu.memory_space<vmem>>
      %dma_start3A_80 = arith.constant 0 : i32
      %dma_start3A_81 = tpu.memref_slice %arg5[%dma_start3A_80, %multiple_of3A_67] : memref<16x1000000xf32, #tpu.memory_space<hbm>> -> memref<16x1024xf32, #tpu.memory_space<hbm>>
      tpu.enqueue_dma source(%dma_start3A_81 : memref<16x1024xf32, #tpu.memory_space<hbm>>) target(%dma_start3A_79 : memref<16x1024xf32, #tpu.memory_space<vmem>>) target_semaphore(%arg11 : memref<!tpu.dma_semaphore, #tpu.memory_space<semaphore_mem>>)
      %add3A_82 = arith.constant 3 : i32
      %add3A_83 = arith.addi %mul3A_6, %add3A_82 : i32
      %mul3A_84 = arith.constant 1024 : i32
      %mul3A_85 = arith.muli %add3A_83, %mul3A_84 : i32
      %min3A_86 = arith.constant 999040 : i32
      %min3A_87 = arith.minsi %mul3A_85, %min3A_86 : i32
      %multiple_of3A_88 = tpu.assume_multiple %min3A_87, 128 : i32
      %rem3A_89 = arith.constant 3 : i32
      %rem3A_90 = arith.constant 4 : i32
      %rem3A_91 = arith.remsi %rem3A_89, %rem3A_90 : i32
      %mul3A_92 = arith.constant 16 : i32
      %mul3A_93 = arith.muli %rem3A_91, %mul3A_92 : i32
      %multiple_of3A_94 = tpu.assume_multiple %mul3A_93, 8 : i32
      %dma_start3A_95 = arith.constant 0 : i32
      %dma_start3A_96 = tpu.memref_slice %arg9[%multiple_of3A_94, %dma_start3A_95] : memref<64x1024xf32, #tpu.memory_space<vmem>> -> memref<16x1024xf32, #tpu.memory_space<vmem>>
      %dma_start3A_97 = arith.constant 0 : i32
      %dma_start3A_98 = tpu.memref_slice %arg5[%dma_start3A_97, %multiple_of3A_88] : memref<16x1000000xf32, #tpu.memory_space<hbm>> -> memref<16x1024xf32, #tpu.memory_space<hbm>>
      %dma_start3A_99 = arith.constant 0 : i32
      %dma_start3A_100 = tpu.memref_slice %arg9[%multiple_of3A_94, %dma_start3A_99] : memref<64x1024xf32, #tpu.memory_space<vmem>> -> memref<16x1024xf32, #tpu.memory_space<vmem>>
      %dma_start3A_101 = arith.constant 0 : i32
      %dma_start3A_102 = tpu.memref_slice %arg5[%dma_start3A_101, %multiple_of3A_88] : memref<16x1000000xf32, #tpu.memory_space<hbm>> -> memref<16x1024xf32, #tpu.memory_space<hbm>>
      tpu.enqueue_dma source(%dma_start3A_102 : memref<16x1024xf32, #tpu.memory_space<hbm>>) target(%dma_start3A_100 : memref<16x1024xf32, #tpu.memory_space<vmem>>) target_semaphore(%arg11 : memref<!tpu.dma_semaphore, #tpu.memory_space<semaphore_mem>>)
      %broadcast_in_dim3A_103 = arith.constant 0.000000e+00 : f32
      %broadcast_in_dim3A_104 = vector.broadcast %broadcast_in_dim3A_103 : f32 to vector<16xf32>
      %scan3A_105 = arith.constant 0 : i32
      %scan3A_106 = arith.constant 62 : i32
      %scan3A_107 = arith.addi %scan3A_105, %scan3A_106 : i32
      %scan3A_108 = arith.constant 1 : i32
      %scan3A_109 = scf.for %scan3A_117 = %scan3A_105 to %scan3A_107 step %scan3A_108 iter_args(%scan3A_118 = %broadcast_in_dim3A_104) -> (vector<16xf32>)  : i32 {
        %dma_wait3A = arith.constant 0 : i32
        %dma_wait3A_119 = arith.constant 0 : i32
        %dma_wait3A_120 = tpu.memref_slice %arg9[%dma_wait3A, %dma_wait3A_119] : memref<64x1024xf32, #tpu.memory_space<vmem>> -> memref<16x1024xf32, #tpu.memory_space<vmem>>
        %dma_wait3A_121 = arith.constant 0 : i32
        %dma_wait3A_122 = arith.constant 0 : i32
        %dma_wait3A_123 = tpu.memref_slice %arg5[%dma_wait3A_121, %dma_wait3A_122] : memref<16x1000000xf32, #tpu.memory_space<hbm>> -> memref<16x1024xf32, #tpu.memory_space<hbm>>
        %dma_wait3A_124 = arith.constant 0 : i32
        %dma_wait3A_125 = arith.constant 0 : i32
        %dma_wait3A_126 = tpu.memref_slice %arg9[%dma_wait3A_124, %dma_wait3A_125] : memref<64x1024xf32, #tpu.memory_space<vmem>> -> memref<16x1024xf32, #tpu.memory_space<vmem>>
        %dma_wait3A_127 = arith.constant 0 : i32
        %dma_wait3A_128 = arith.constant 0 : i32
        %dma_wait3A_129 = tpu.memref_slice %arg5[%dma_wait3A_127, %dma_wait3A_128] : memref<16x1000000xf32, #tpu.memory_space<hbm>> -> memref<16x1024xf32, #tpu.memory_space<hbm>>
        tpu.wait_dma2 semaphore(%arg11 : memref<!tpu.dma_semaphore, #tpu.memory_space<semaphore_mem>>) src(%dma_wait3A_129 : memref<16x1024xf32, #tpu.memory_space<hbm>>) dst(%dma_wait3A_126 : memref<16x1024xf32, #tpu.memory_space<vmem>>)
        %add3A_130 = arith.constant 4 : i32
        %add3A_131 = arith.addi %scan3A_117, %add3A_130 : i32
        %lt3A = arith.constant 62 : i32
        %lt3A_132 = arith.cmpi slt, %add3A_131, %lt3A : i32
        %convert_element_type3A_133 = arith.extui %lt3A_132 : i1 to i32
        %cond3A_134 = arith.constant 0 : i32
        %cond3A_135 = arith.cmpi ne, %convert_element_type3A_133, %cond3A_134 : i32
        scf.if %cond3A_135 {
          %add3A_145 = arith.constant 4 : i32
          %add3A_146 = arith.addi %scan3A_117, %add3A_145 : i32
          %add3A_147 = arith.addi %mul3A_6, %add3A_146 : i32
          %mul3A_148 = arith.constant 1024 : i32
          %mul3A_149 = arith.muli %add3A_147, %mul3A_148 : i32
          %min3A_150 = arith.constant 999040 : i32
          %min3A_151 = arith.minsi %mul3A_149, %min3A_150 : i32
          %multiple_of3A_152 = tpu.assume_multiple %min3A_151, 128 : i32
          %rem3A_153 = arith.constant 4 : i32
          %rem3A_154 = arith.remsi %add3A_146, %rem3A_153 : i32
          %mul3A_155 = arith.constant 16 : i32
          %mul3A_156 = arith.muli %rem3A_154, %mul3A_155 : i32
          %multiple_of3A_157 = tpu.assume_multiple %mul3A_156, 8 : i32
          %dma_start3A_158 = arith.constant 0 : i32
          %dma_start3A_159 = tpu.memref_slice %arg9[%multiple_of3A_157, %dma_start3A_158] : memref<64x1024xf32, #tpu.memory_space<vmem>> -> memref<16x1024xf32, #tpu.memory_space<vmem>>
          %dma_start3A_160 = arith.constant 0 : i32
          %dma_start3A_161 = tpu.memref_slice %arg5[%dma_start3A_160, %multiple_of3A_152] : memref<16x1000000xf32, #tpu.memory_space<hbm>> -> memref<16x1024xf32, #tpu.memory_space<hbm>>
          %dma_start3A_162 = arith.constant 0 : i32
          %dma_start3A_163 = tpu.memref_slice %arg9[%multiple_of3A_157, %dma_start3A_162] : memref<64x1024xf32, #tpu.memory_space<vmem>> -> memref<16x1024xf32, #tpu.memory_space<vmem>>
          %dma_start3A_164 = arith.constant 0 : i32
          %dma_start3A_165 = tpu.memref_slice %arg5[%dma_start3A_164, %multiple_of3A_152] : memref<16x1000000xf32, #tpu.memory_space<hbm>> -> memref<16x1024xf32, #tpu.memory_space<hbm>>
          tpu.enqueue_dma source(%dma_start3A_165 : memref<16x1024xf32, #tpu.memory_space<hbm>>) target(%dma_start3A_163 : memref<16x1024xf32, #tpu.memory_space<vmem>>) target_semaphore(%arg11 : memref<!tpu.dma_semaphore, #tpu.memory_space<semaphore_mem>>)
        } else {
        }
        %rem3A_136 = arith.constant 4 : i32
        %rem3A_137 = arith.remsi %scan3A_117, %rem3A_136 : i32
        %mul3A_138 = arith.constant 16 : i32
        %mul3A_139 = arith.muli %rem3A_137, %mul3A_138 : i32
        %add3A_140 = vector.broadcast %mul3A_139 : i32 to vector<16xi32>
        %add3A_141 = arith.addi %add3A_140, %iota3A : vector<16xi32>
        %broadcast_in_dim3A_142 = arith.constant 0 : i32
        %broadcast_in_dim3A_143 = vector.broadcast %broadcast_in_dim3A_142 : i32 to vector<16xi32>
        %gather3A = tpu.vector_load_idx %arg9[%add3A_141, %broadcast_in_dim3A_143] : memref<64x1024xf32, #tpu.memory_space<vmem>>[vector<16xi32>, vector<16xi32>], vector<16xf32>,
        %add3A_144 = arith.addf %scan3A_118, %gather3A : vector<16xf32>
        scf.yield %add3A_144 : vector<16xf32>
      }
      %scan3A_110 = arith.constant 62 : i32
      %mul3A_111 = arith.constant 0.000000e+00 : f32
      %mul3A_112 = vector.broadcast %mul3A_111 : f32 to vector<16xf32>
      %mul3A_113 = arith.mulf %scan3A_109, %mul3A_112 : vector<16xf32>
      %swap3A = arith.constant 0 : i32
      %swap3A_114 = arith.index_cast %swap3A : i32 to index
      %swap3A_115 = arith.constant 0 : index
      %swap3A_116 = tpu.vector_load %arg10[%swap3A_114, %swap3A_115] {strides = array<i32>} : memref<8x128xf32, #tpu.memory_space<vmem>>, vector<16xf32>,
      tpu.vector_store %arg10[%swap3A_114, %swap3A_115], %mul3A_113 {strides = array<i32>} : memref<8x128xf32, #tpu.memory_space<vmem>>, vector<16xf32>,
    } else {
    }
    %scan3A = arith.constant 0 : i32
    %scan3A_15 = arith.constant 0 : i32
    %scan3A_16 = arith.constant 8 : i32
    %scan3A_17 = arith.addi %scan3A_15, %scan3A_16 : i32
    %scan3A_18 = arith.constant 1 : i32
    %scan3A_19 = scf.for %scan3A_23 = %scan3A_15 to %scan3A_17 step %scan3A_18 iter_args(%scan3A_24 = %scan3A) -> (i32)  : i32 {
      %broadcast_in_dim3A_25 = arith.constant 0.000000e+00 : f32
      %broadcast_in_dim3A_26 = vector.broadcast %broadcast_in_dim3A_25 : f32 to vector<16xf32>
      %swap3A = arith.index_cast %scan3A_23 : i32 to index
      %swap3A_27 = arith.constant 0 : index
      %swap3A_28 = tpu.vector_load %arg10[%swap3A, %swap3A_27] {strides = array<i32>} : memref<8x128xf32, #tpu.memory_space<vmem>>, vector<16xf32>,
      tpu.vector_store %arg10[%swap3A, %swap3A_27], %broadcast_in_dim3A_26 {strides = array<i32>} : memref<8x128xf32, #tpu.memory_space<vmem>>, vector<16xf32>,
      %scan3A_29 = arith.constant 0 : i32
      scf.yield %scan3A_29 : i32
    }
    %scan3A_20 = arith.constant 8 : i32
    %mul3A_21 = arith.constant 8 : i32
    %mul3A_22 = arith.muli %add3A, %mul3A_21 : i32
    "tpu.region"() ({
      %run_scoped3A = tpu.sem_alloc : memref<!tpu.dma_semaphore, #tpu.memory_space<semaphore_mem>>
      %dma_start3A = arith.constant 0 : i32
      %dma_start3A_23 = tpu.memref_slice %arg6[%mul3A_22, %dma_start3A] : memref<256x128xf32, #tpu.memory_space<hbm>> -> memref<8x128xf32, #tpu.memory_space<hbm>>
      %dma_start3A_24 = arith.constant 0 : i32
      %dma_start3A_25 = tpu.memref_slice %arg6[%mul3A_22, %dma_start3A_24] : memref<256x128xf32, #tpu.memory_space<hbm>> -> memref<8x128xf32, #tpu.memory_space<hbm>>
      tpu.enqueue_dma source(%arg10 : memref<8x128xf32, #tpu.memory_space<vmem>>) target(%dma_start3A_25 : memref<8x128xf32, #tpu.memory_space<hbm>>) target_semaphore(%run_scoped3A : memref<!tpu.dma_semaphore, #tpu.memory_space<semaphore_mem>>)
      %dma_wait3A = arith.constant 0 : i32
      %dma_wait3A_26 = tpu.memref_slice %arg6[%mul3A_22, %dma_wait3A] : memref<256x128xf32, #tpu.memory_space<hbm>> -> memref<8x128xf32, #tpu.memory_space<hbm>>
      %dma_wait3A_27 = arith.constant 0 : i32
      %dma_wait3A_28 = tpu.memref_slice %arg6[%mul3A_22, %dma_wait3A_27] : memref<256x128xf32, #tpu.memory_space<hbm>> -> memref<8x128xf32, #tpu.memory_space<hbm>>
      tpu.wait_dma2 semaphore(%run_scoped3A : memref<!tpu.dma_semaphore, #tpu.memory_space<semaphore_mem>>) src(%arg10 : memref<8x128xf32, #tpu.memory_space<vmem>>) dst(%dma_wait3A_28 : memref<8x128xf32, #tpu.memory_space<hbm>>)
      tpu.yield
    }) : () -> ()
    return
  }
}

</mosaic_0001>

<sc_bundles>
// kernel: kernel.3.cloned.1.call-start
scs
__scs_entry_jumppad:
0x0: {  	(pc) =	sbr.rel $0x88, $3  }
0x1: {  	(tag) =	ssettag $0x0;
	lr =	simm.s32 $0x1  }
0x2: {  	[smem:$0x3F9D] =	sst lr;
	_ =	strace $0xD0000000  }
0x3: {  	_ = 	snop  }
0x4: {  	_ = 	snop  }
0x5: {  	_ = 	snop  }
0x6: {  	_ = 	snop  }
0x7: {  	_ = 	snop  }
__scs_overlays_trampoline_lowered:
0x8: {  	[smem:$0x3FAC] =	sst s0  }
0x9: {  	[smem:$0x3FAD] =	sst s1  }
0xa: {  	[smem:$0x3FAE] =	sst s2  }
0xb: {  	[smem:$0x3FAF] =	sst s3  }
0xc: {  	[smem:$0x3FB0] =	sst s4  }
0xd: {  	[smem:$0x3FB1] =	sst s5  }
0xe: {  	[smem:$0x3FB2] =	sst s6  }
0xf: {  	[smem:$0x3FB3] =	sst s7  }
0x10: {  	[smem:$0x3FB4] =	sst s8  }
0x11: {  	[smem:$0x3FB5] =	sst s9;
	s0 =	simm.s32 @!p0 $0x0  }
0x12: {  	s1 =	sld [smem:$0x3F9B];
	s0 =	simm.s32 @p0 $0x1  }
0x13: {  	[smem:$0x3FB6] =	sst s0;
	s0 =	simm.s32 @!p1 $0x0  }
0x14: {  	s2 =	sld [smem:$0x3F9A];
	s0 =	simm.s32 @p1 $0x1  }
0x15: {  	[smem:$0x3FB7] =	sst s0;
	s0 =	simm.s32 @!p2 $0x0  }
0x16: {  	s3 =	sld [smem:$0x3FDB];
	s0 =	simm.s32 @p2 $0x1  }
0x17: {  	s4 =	simm.s32 $0x1BF5;
	[smem:$0x3FB9] =	sst s0  }
0x18: {  	s0 =	sld [smem:$0x3F9C];
	_ =	swait.ge [sflag:s4], $0x0  }
0x19: {  	s7 =	sld [smem:$0x3F9D]  }
0x1a: {  	s8 =	sadd.s32 $0xFFFFE003, lr  }
0x1b: {  	s9 =	sadd.s32 $0xFFFFFEF7, lr;
	s5 =	simm.s32 $0xFFFFFFFF;
	p2 =	slt.u32 s8, $0xFFFFF086  }
0x1c: {  	p1 =	slt.u32 s9, $0xF7A;
	s5 =	simm.s32 @!p2 $0x0  }
0x1d: {  	s5 =	simm.s32 @p1 $0x1;
	p0 =	seq.s32 s7, s2  }
0x1e: {  	s7 =	smul.u32 @!p0 $0xF7A, s2;
	p2 =	seq.s32 @!p0 s5, $0x0  }
0x1f: {  	s9 =	smul.u32 $0xF7A, s1;
	s8 =	simm.s32 @!p0 $0x1BF5;
	p2 =	por !p2, p0  }
0x20: {  	[sflag:s8] =	ssyncset.s32 @!p0 $0xFFFFF086;
	s6 =	sadd.s32 @!p0 s3, s7;
	s7 =	simm.s32 @!p0 $0x108  }
0x21: {  	s3 =	sadd.s32 s3, s9;
	s6 =	sadd.s32 @!p0 $0x88, s6;
	s7 =	simm.s32 @p2 $0x1082  }
0x22: {  	[simem:s7], [sflag:s8] =	dma.local @!p0 [hbm:s6], $0xF7A  }
0x23: {  	s9 =	sor.u32 $0xD0000000, s2;
	s6 =	simm.s32 $0x108;
	_ =	swait.ge @!p0 [sflag:s8], $0x0  }
0x24: {  	s3 =	sadd.s32 $0x88, s3;
	s6 =	simm.s32 @!p1 $0x1082;
	[sflag:s4] =	ssyncset.s32 $0xFFFFF086  }
0x25: {  	[simem:s6], [sflag:s4] =	dma.local [hbm:s3], $0xF7A  }
0x26: {  	[smem:$0x3F9D] =	sst s1;
	(tag) =	ssettag s2;
	_ =	strace s9  }
0x27: {  	s1 =	sld [smem:$0x3FAD]  }
0x28: {  	s2 =	sld [smem:$0x3FAE]  }
0x29: {  	s4 =	sld [smem:$0x3FB0]  }
0x2a: {  	p0 =	seq.s32 s5, $0x0;
	s5 =	sld [smem:$0x3FB1]  }
0x2b: {  	s6 =	sld [smem:$0x3FB2]  }
0x2c: {  	s7 =	sld [smem:$0x3FB3]  }
0x2d: {  	s3 =	simm.s32 $0x108;
	s8 =	sld [smem:$0x3FB4]  }
0x2e: {  	s3 =	simm.s32 @!p0 $0x1082;
	s9 =	sld [smem:$0x3FB5]  }
0x2f: {  	lr =	sadd.s32 s0, s3;
	s0 =	sld [smem:$0x3FAC]  }
0x30: {  	s3 =	sld [smem:$0x3FAF]  }
0x31: {  	[smem:$0x3FB8] =	sst s10  }
0x32: {  	s10 =	sld [smem:$0x3FB6];
	_ =	sdelay $0x3  }
0x33: {  	p0 =	seq.s32 s10, $0x1;
	s10 =	sld [smem:$0x3FB8];
	_ =	sdelay $0x3  }
0x34: {  	[smem:$0x3FB8] =	sst s10  }
0x35: {  	s10 =	sld [smem:$0x3FB7];
	_ =	sdelay $0x3  }
0x36: {  	p1 =	seq.s32 s10, $0x1;
	s10 =	sld [smem:$0x3FB8];
	_ =	sdelay $0x3  }
0x37: {  	[smem:$0x3FB8] =	sst s10  }
0x38: {  	s10 =	sld [smem:$0x3FB9]  }
0x39: {  	_ = 	snop;
	(pc) =	sbr.ind lr, $3  }
0x3a: {  	_ = 	snop  }
0x3b: {  	_ = 	snop  }
0x3c: {  	p2 =	seq.s32 s10, $0x1;
	s10 =	sld [smem:$0x3FB8]  }
0x3d: {  	_ =	shalt  }
0x3e: {  	_ =	shalt  }
0x3f: {  	_ =	shalt  }
0x40: {  	_ =	shalt  }
0x41: {  	_ =	shalt  }
0x42: {  	_ =	shalt  }
0x43: {  	_ =	shalt  }
0x44: {  	_ =	shalt  }
0x45: {  	_ =	shalt  }
0x46: {  	_ =	shalt  }
0x47: {  	_ =	shalt  }
0x48: {  	_ =	shalt  }
0x49: {  	_ =	shalt  }
0x4a: {  	_ =	shalt  }
0x4b: {  	_ =	shalt  }
0x4c: {  	_ =	shalt  }
0x4d: {  	_ =	shalt  }
0x4e: {  	_ =	shalt  }
0x4f: {  	_ =	shalt  }
0x50: {  	_ =	shalt  }
0x51: {  	_ =	shalt  }
0x52: {  	_ =	shalt  }
0x53: {  	_ =	shalt  }
0x54: {  	_ =	shalt  }
0x55: {  	_ =	shalt  }
0x56: {  	_ =	shalt  }
0x57: {  	_ =	shalt  }
0x58: {  	_ =	shalt  }
0x59: {  	_ =	shalt  }
0x5a: {  	_ =	shalt  }
0x5b: {  	_ =	shalt  }
0x5c: {  	_ =	shalt  }
0x5d: {  	_ =	shalt  }
0x5e: {  	_ =	shalt  }
0x5f: {  	_ =	shalt  }
0x60: {  	_ =	shalt  }
0x61: {  	_ =	shalt  }
0x62: {  	_ =	shalt  }
0x63: {  	_ =	shalt  }
0x64: {  	_ =	shalt  }
0x65: {  	_ =	shalt  }
0x66: {  	_ =	shalt  }
0x67: {  	_ =	shalt  }
0x68: {  	_ =	shalt  }
0x69: {  	_ =	shalt  }
0x6a: {  	_ =	shalt  }
0x6b: {  	_ =	shalt  }
0x6c: {  	_ =	shalt  }
0x6d: {  	_ =	shalt  }
0x6e: {  	_ =	shalt  }
0x6f: {  	_ =	shalt  }
0x70: {  	_ =	shalt  }
0x71: {  	_ =	shalt  }
0x72: {  	_ =	shalt  }
0x73: {  	_ =	shalt  }
0x74: {  	_ =	shalt  }
0x75: {  	_ =	shalt  }
0x76: {  	_ =	shalt  }
0x77: {  	_ =	shalt  }
0x78: {  	_ =	shalt  }
0x79: {  	_ =	shalt  }
0x7a: {  	_ =	shalt  }
0x7b: {  	_ =	shalt  }
0x7c: {  	_ =	shalt  }
0x7d: {  	_ =	shalt  }
0x7e: {  	_ =	shalt  }
0x7f: {  	_ =	shalt  }
0x80: {  	_ =	shalt  }
0x81: {  	_ =	shalt  }
0x82: {  	_ =	shalt  }
0x83: {  	_ =	shalt  }
0x84: {  	_ =	shalt  }
0x85: {  	_ =	shalt  }
0x86: {  	_ =	shalt  }
0x87: {  	_ =	shalt  }
.Lfunc_end0:
.L_simem_size_0:
called_computation_lowered:
.L_overlay_start_0:
0x88: {  	s2 =	sld [smem:$0x3FD9]  }
0x89: {  	s3 =	sld [smem:$0x3FFE];
	_ =	sdelay $0x1  }
0x8a: {  	s1 =	srdreg.scid  }
0x8b: {  	s0 =	sand.u32 $0x1, s1  }
0x8c: {  	s17 =	sshll.u32 s0, $0xA;
	s2 =	sadd.s32 s3, s2  }
0x8d: {  	s2 =	sadd.s32 s2, s17  }
0x8e: {  	[smem:$0x3FC4] =	sst s2  }
0x8f: {  	_ = 	snop  }
0x90: {  	s2 =	sld [smem:$0x3FC9]  }
0x91: {  	s18 =	sld [smem:$0x3FC8]  }
0x92: {  	s4 =	sld [smem:$0x3FC7]  }
0x93: {  	s5 =	sld [smem:$0x3FC6];
	(tm) =	ssettm $0x1  }
0x94: {  	s6 =	sld [smem:$0x3FFB];
	_ =	sdelay $0x3  }
0x95: {  	_ =	strace s6  }
0x96: {  	s6 =	sld [smem:$0x3FFC];
	_ =	sdelay $0x3  }
0x97: {  	_ =	strace s6  }
0x98: {  	s6 =	sld [smem:$0x3FFD];
	_ =	sdelay $0x3  }
0x99: {  	_ =	strace s6  }
0x9a: {  	_ =	strace $0x8FFFFFFF  }
0x9b: {  	s19 =	sld [smem:$0x3FDB];
	_ =	sdelay $0x1  }
0x9c: {  	s7 =	simm.s32 $_scs_section_size  }
0x9d: {  	s8 =	simm.s32 $_size__tile_overlayer_lowered;
	s9 =	simm.s32 $_tile_overlayer_lowered  }
0x9e: {  	s22 =	simm.s32 $0x1BFF;
	s21 =	sshll.u32 s9, $0x1;
	s6 =	sadd.s32 s7, s19  }
0x9f: {  	s10 =	simm.s32 $0x0;
	s20 =	sshll.u32 s8, $0x1;
	s8 =	sadd.s32 s21, s6  }
0xa0: {  	[timem:s10], [sflag:s22] =	dma.local [hbm:s8], s20  }
0xa1: {  	_ =	swait.ge [sflag:s22], s20  }
0xa2: {  	s7 =	ssub.s32 $0x0, s20;
	[sflag:s22] =	ssyncset.done $0x0  }
0xa3: {  	[sflag:s22] =	ssyncadd.s32 s7;
	_ =	sdelay $0x1  }
0xa4: {  	s23 =	simm.s32 $0x1B8B  }
0xa5: {  	_ =	swait.ge [sflag:s23], $0x1  }
0xa6: {  	[sflag:s23] =	ssyncset.done $0x0  }
0xa7: {  	s25 =	simm.s32 $0x1B8E;
	s24 =	sld [smem:$0x3FFE];
	[sflag:s23] =	ssyncadd.s32 $0xFFFFFFFF  }
0xa8: {  	s26 =	simm.s32 $execute0_lowered;
	[smem:$0x3FD2] =	sst s25  }
0xa9: {  	s8 =	sshll.u32 s26, $0x1;
	_ =	strace $0x80000046;
	[dreg:$0x1] =	wrdreg $0xFFFFFFFF  }
0xaa: {  	s28 =	simm.s32 $_size_execute0_lowered;
	s6 =	sadd.s32 s6, s8;
	[dreg:$0x0] =	wrdreg $0x0  }
0xab: {  	s8 =	sshll.u32 s28, $0x1;
	[dreg:$0x2] =	wrdreg s6  }
0xac: {  	[dreg:$0x3] =	wrdreg s8  }
0xad: {  	[dreg:$0x4] =	wrdreg $0xC0  }
0xae: {  	_ =	task [dreg:s10], $0x5FFFF  }
0xaf: {  	[dreg:$0x1] =	wrdreg $0xFFFFFFFF  }
0xb0: {  	[dreg:$0x0] =	wrdreg $0x60  }
0xb1: {  	[dreg:$0x2] =	wrdreg s2  }
0xb2: {  	[dreg:$0x3] =	wrdreg s18  }
0xb3: {  	[dreg:$0x4] =	wrdreg s4  }
0xb4: {  	[dreg:$0x5] =	wrdreg s5  }
0xb5: {  	[dreg:$0x6] =	wrdreg s24  }
0xb6: {  	[dreg:$0x7] =	wrdreg $0x9  }
0xb7: {  	_ =	task.clear_ibuf [dreg:s10], $0x8FFFF;
	_ =	strace $0x90000046  }
0xb8: {  	s29 =	simm.s32 $0x9;
	_ =	strace $0x80000048  }
0xb9: {  	_ =	swait.ge [sflag:s29], $0x1  }
0xba: {  	[sflag:s29] =	ssyncadd.s32 $0xFFFFFFFF  }
0xbb: {  	_ =	strace $0x90000048  }
0xbc: {  	_ =	sfence  }
0xbd: {  	s30 =	sld [smem:$0x0];
	_ =	sdelay $0x2  }
0xbe: {  	s31 =	sshll.u32 s1, $0xD;
	s1 =	sshrl.u32 s1, $0x2  }
0xbf: {  	s3 =	sand.u32 $0x4000, s31;
	s1 =	sadd.s32 s1, s30  }
0xc0: {  	s0 =	sor.u32 s3, s0;
	s1 =	sshll.u32 s1, $0x11  }
0xc1: {  	s0 =	sor.u32 s1, s0  }
0xc2: {  	s0 =	sadd.s32 $0x8F2B, s0  }
0xc3: {  	[sflag:s0] =	ssyncadd.remote.s32 $0x1  }
0xc4: {  	_ =	sfence.sel $0xFFFF  }
0xc5: {  	[dreg:$0x0] =	wrdreg $0xFFFFFFFF;
	(pc) =	sbr.abs _section_cstart, $3  }
0xc6: {  	[dreg:$0x1] =	wrdreg $0xFFFFFFFF  }
0xc7: {  	_ =	task.clear_ibuf [dreg:s10], $0x2FFFF;
	_ =	strace $0x9FFFFFFF  }
0xc8: {  	(tm) =	ssettm $0x7FFFFFFF  }
0xc9: {  	_ =	shalt  }
tec
execute0_lowered:
.L_overlay_start_1:
0x0: {  	(tag) =	ssettag $0x1  }
0x1: {  	s0 =	rddreg [dreg:$0x0]  }
0x2: {  	s4 =	rddreg [dreg:$0x1]  }
0x3: {  	s1 =	rddreg [dreg:$0x2]  }
0x4: {  	s2 =	rddreg [dreg:$0x3]  }
0x5: {  	s5 =	rddreg [dreg:$0x4]  }
0x6: {  	s3 =	simm.s32 $0x0;
	s6 =	srdreg.scid;
	s12 =	stileid.u32  }
0x7: {  	s18 =	simm.s32 $0x2;
	s19 =	simm.s32 $0x200;
	s20 =	simm.s32 $0x2000  }
0x8: {  	s21 =	simm.s32 $0x7A1400;
	s22 =	simm.s32 $0x400;
	s28 =	simm.s32 $0x10400  }
0x9: {  	s29 =	simm.s32 $0x0;
	[smem:$0x7FF] =	sst s3;
	s8 =	sand.u32 $0x1, s6  }
0xa: {  	s9 =	sshll.u32 s12, $0x7;
	s17 =	smul.u32 $0xF800, s12;
	s30 =	sshll.u32 s12, $0x8  }
0xb: {  	_ =	strace $0x80000047;
	s6 =	sshll.u32 s8, $0x7;
	s7 =	ssub.s32 $0x2, s8  }
0xc: {  	s10 =	sshll.u32 s8, $0x6;
	p0 =	seq.s32 s8, $0x1;
	s11 =	sshrl.u32 s7, $0x1  }
0xd: {  	s9 =	sor.u32 s10, s9;
	s14 =	sadd.s32 s6, s5;
	s23 =	sor.u32 $0x400, s17  }
0xe: {  	s8 =	sadd.s32 $0x1000, s17;
	s16 =	ssub.s32 s7, s11;
	s5 =	sadd.s32 s0, s9  }
0xf: {  	s6 =	sadd.s32 s4, s9;
	s7 =	sadd.s32 s1, s17;
	s24 =	sadd.s32 s1, s23  }
0x10: {  	s11 =	sadd.s32 s2, s17;
	s0 =	sadd.s32 s2, s23;
	s31 =	sadd.s32 s30, s14  }
.Ltmp0:
0x11: {  	s23 =	simm.s32 $0x4400;
	[dreg:$0x6] =	wrdreg s24;
	(pc) =	sbr.rel .LBB2_1-.Ltmp0, $4  }
0x12: {  	s25 =	sadd.s32 $0x800, s7;
	s26 =	sadd.s32 $0xC00, s7;
	[dreg:$0x9] =	wrdreg s0  }
0x13: {  	s13 =	sadd.s32 $0x800, s11;
	s14 =	sadd.s32 $0xC00, s11;
	s15 =	sadd.s32 $0x400, s31  }
0x14: {  	s16 =	smax.u32 s16, $0x1;
	s24 =	simm.s32 $0x8400;
	[dreg:$0x7] =	wrdreg s25  }
0x15: {  	v0 =	vimm.f32 $0.0e+00;
	[dreg:$0x8] =	wrdreg s26;
	s25 =	simm.s32 $0xC400;
	s26 =	simm.s32 $0x1  }
.LBB2_6:
0x16: {  	[tilespmem:$0x10400] =	vst v0  }
0x17: {  	[tilespmem:$0x10480] =	vst v0  }
0x18: {  	[tilespmem:$0x10500] =	vst v0  }
0x19: {  	[tilespmem:$0x10580] =	vst v0  }
0x1a: {  	[tilespmem:$0x10600] =	vst v0  }
0x1b: {  	[tilespmem:$0x10680] =	vst v0;
	s29 =	sadd.s32 $0x1, s29  }
0x1c: {  	[tilespmem:$0x10700] =	vst v0;
	p1 =	sne.s32 s29, s16  }
.Ltmp1:
0x1d: {  	[tilespmem:$0x10780] =	vst v0;
	(pc) =	sbr.rel @!p1 .LBB2_7-.Ltmp1, $4  }
0x1e: {  	[hbm4b:s15+s3] =	stream.linear.scatter [tilespmem:s28], [sflag:$0x2], $0x400, $0x38;
	[tilespmem:$0x10800] =	vst v63  }
0x1f: {  	_ =	swait.ge [sflag:s18], $0x400  }
0x20: {  	[sflag:s18] =	ssyncset.done $0x0  }
0x21: {  	[sflag:s18] =	ssyncadd.s32 $0xFFFFFC00  }
.LBB2_1:
0x22: {  	[tilespmem:s3], [sflag:$0x2] =	stream.linear.gather [hbm4b:s5+s3], $0x200, $0x38;
	[tilespmem:$0x10800] =	vst v63  }
0x23: {  	_ =	swait.ge [sflag:s18], $0x200  }
0x24: {  	[sflag:s18] =	ssyncset.done $0x0  }
.Ltmp2:
0x25: {  	[sflag:s18] =	ssyncadd.s32 $0xFFFFFE00;
	(pc) =	sbr.rel @!p0 .LBB2_2-.Ltmp2, $4  }
0x26: {  	[tilespmem:s19], [sflag:$0x2] =	stream.linear.gather [hbm4b:s6+s3], $0x200, $0x38;
	[tilespmem:$0x10800] =	vst v63  }
0x27: {  	_ =	swait.ge [sflag:s18], $0x200  }
0x28: {  	[sflag:s18] =	ssyncset.done $0x0  }
0x29: {  	[sflag:s18] =	ssyncadd.s32 $0xFFFFFE00  }
0x2a: {  	[tilespmem:s22], [sflag:$0x1] =	stream.strided.gather [hbm4b:s11+s20], $0x4000, s21, s20, $0x38;
	[tilespmem:$0x10800] =	vst v63  }
0x2b: {  	s0 =	rddreg [dreg:$0x9]  }
0x2c: {  	[tilespmem:s23], [sflag:$0x1] =	stream.strided.gather [hbm4b:s0+s20], $0x4000, s21, s20, $0x38;
	[tilespmem:$0x10800] =	vst v63  }
0x2d: {  	s30 =	simm.s32 $0x0;
	p1 =	por $0x0, $0x0;
	s10 =	smov.u32 s8  }
0x2e: {  	[tilespmem:s24], [sflag:$0x1] =	stream.strided.gather [hbm4b:s13+s20], $0x4000, s21, s20, $0x38;
	[tilespmem:$0x10800] =	vst v63  }
0x2f: {  	p2 =	slt.s32 @!p1 s8, $0xF3E80;
	s4 =	sand.u32 @!p1 $0x30000, s30;
	s9 =	simm.s32 @!p1 $0x7A1400  }
0x30: {  	[tilespmem:s25], [sflag:$0x1] =	stream.strided.gather [hbm4b:s14+s20], $0x4000, s21, s20, $0x38;
	[tilespmem:$0x10800] =	vst v63  }
0x31: {  	s0 =	simm.s32 @!p1 $0x2000;
	p2 =	por !p2, p1;
	_ =	swait.ge [sflag:s26], $0x4000  }
0x32: {  	s4 =	sshrl.u32 @!p1 s4, $0x2;
	s10 =	simm.s32 @p2 $0xF3E80;
	[sflag:s26] =	ssyncset.done $0x0  }
0x33: {  	s4 =	sor.u32 @!p1 $0x400, s4;
	s10 =	sadd.s32 @!p1 s2, s10;
	[sflag:s26] =	ssyncadd.s32 $0xFFFFC000  }
0x34: {  	[tilespmem:s4], [sflag:$0x1] =	stream.strided.gather @!p1 [hbm4b:s10+s0], $0x4000, s9, s0, $0x38;
	[tilespmem:$0x10800] =	vst v63  }
0x35: {  	s31 =	simm.s32 $0x10;
	s17 =	smov.u32 s8;
	s0 =	simm.s32 $0x10000  }
.LBB2_5:
0x36: {  	_ =	swait.ge [sflag:s26], $0x4000;
	s4 =	smov.u32 s0;
	s31 =	sadd.s32 $0x10, s31  }
0x37: {  	s30 =	sadd.s32 $0x1, s30;
	s0 =	sadd.s32 $0x10000, s0;
	s17 =	sadd.s32 $0x400, s17  }
0x38: {  	p1 =	sgt.u32 s30, $0x39;
	p2 =	sne.s32 s0, $0x3E0000;
	s12 =	smov.u32 s17  }
.Ltmp3:
0x39: {  	p3 =	slt.s32 @!p1 s17, $0xF3E80;
	s9 =	simm.s32 @!p1 $0x2000;
	(pc) =	sbr.rel @p2 .LBB2_5-.Ltmp3, $4  }
0x3a: {  	s4 =	sand.u32 @!p1 $0x30000, s4;
	s10 =	simm.s32 @!p1 $0x7A1400;
	p3 =	por !p3, p1  }
0x3b: {  	s4 =	sshrl.u32 @!p1 s4, $0x2;
	s12 =	simm.s32 @p3 $0xF3E80;
	[sflag:s26] =	ssyncset.done $0x0  }
0x3c: {  	s4 =	sor.u32 @!p1 $0x400, s4;
	s12 =	sadd.s32 @!p1 s2, s12;
	[sflag:s26] =	ssyncadd.s32 $0xFFFFC000  }
0x3d: {  	[tilespmem:s4], [sflag:$0x1] =	stream.strided.gather @!p1 [hbm4b:s12+s9], $0x4000, s10, s9, $0x38;
	[tilespmem:$0x10800] =	vst v63  }
.Ltmp4:
0x3e: {  	_ = 	snop;
	(pc) =	sbr.rel .LBB2_6-.Ltmp4, $1  }
0x3f: {  	_ =	sdelay $0x3  }
.LBB2_2:
0x40: {  	[tilespmem:s22], [sflag:$0x1] =	stream.strided.gather [hbm4b:s7+s20], $0x4000, s21, s20, $0x38;
	[tilespmem:$0x10800] =	vst v63  }
0x41: {  	s0 =	rddreg [dreg:$0x6]  }
0x42: {  	s12 =	rddreg [dreg:$0x7]  }
0x43: {  	s17 =	rddreg [dreg:$0x8]  }
0x44: {  	[tilespmem:s23], [sflag:$0x1] =	stream.strided.gather [hbm4b:s0+s20], $0x4000, s21, s20, $0x38;
	[tilespmem:$0x10800] =	vst v63  }
0x45: {  	s30 =	simm.s32 $0x0;
	p1 =	por $0x0, $0x0;
	s4 =	smov.u32 s8  }
0x46: {  	[tilespmem:s24], [sflag:$0x1] =	stream.strided.gather [hbm4b:s12+s20], $0x4000, s21, s20, $0x38;
	[tilespmem:$0x10800] =	vst v63  }
0x47: {  	p2 =	slt.s32 @!p1 s8, $0xF3E80;
	s31 =	simm.s32 @!p1 $0x7A1400;
	s0 =	simm.s32 @!p1 $0x2000  }
0x48: {  	[tilespmem:s25], [sflag:$0x1] =	stream.strided.gather [hbm4b:s17+s20], $0x4000, s21, s20, $0x38;
	[tilespmem:$0x10800] =	vst v63  }
0x49: {  	p2 =	por !p2, p1;
	s17 =	sand.u32 @!p1 $0x30000, s30;
	_ =	swait.ge [sflag:s26], $0x4000  }
0x4a: {  	s4 =	simm.s32 @p2 $0xF3E80;
	s17 =	sshrl.u32 @!p1 s17, $0x2;
	[sflag:s26] =	ssyncset.done $0x0  }
0x4b: {  	s4 =	sadd.s32 @!p1 s1, s4;
	s17 =	sor.u32 @!p1 $0x400, s17;
	[sflag:s26] =	ssyncadd.s32 $0xFFFFC000  }
0x4c: {  	[tilespmem:s17], [sflag:$0x1] =	stream.strided.gather @!p1 [hbm4b:s4+s0], $0x4000, s31, s0, $0x38;
	[tilespmem:$0x10800] =	vst v63  }
0x4d: {  	s31 =	simm.s32 $0x10;
	s0 =	simm.s32 $0x10000;
	s17 =	smov.u32 s8  }
.LBB2_3:
0x4e: {  	_ =	swait.ge [sflag:s26], $0x4000;
	s4 =	smov.u32 s0;
	s31 =	sadd.s32 $0x10, s31  }
0x4f: {  	s30 =	sadd.s32 $0x1, s30;
	s0 =	sadd.s32 $0x10000, s0;
	s17 =	sadd.s32 $0x400, s17  }
0x50: {  	p1 =	sgt.u32 s30, $0x39;
	p2 =	seq.s32 s0, $0x3E0000;
	s12 =	smov.u32 s17  }
.Ltmp5:
0x51: {  	p3 =	slt.s32 @!p1 s17, $0xF3E80;
	s9 =	simm.s32 @!p1 $0x2000;
	(pc) =	sbr.rel @!p2 .LBB2_3-.Ltmp5, $4  }
0x52: {  	s4 =	sand.u32 @!p1 $0x30000, s4;
	s10 =	simm.s32 @!p1 $0x7A1400;
	p3 =	por !p3, p1  }
0x53: {  	s4 =	sshrl.u32 @!p1 s4, $0x2;
	s12 =	simm.s32 @p3 $0xF3E80;
	[sflag:s26] =	ssyncset.done $0x0  }
0x54: {  	s4 =	sor.u32 @!p1 $0x400, s4;
	s12 =	sadd.s32 @!p1 s1, s12;
	[sflag:s26] =	ssyncadd.s32 $0xFFFFC000  }
0x55: {  	[tilespmem:s4], [sflag:$0x1] =	stream.strided.gather @!p1 [hbm4b:s12+s9], $0x4000, s10, s9, $0x38;
	[tilespmem:$0x10800] =	vst v63  }
.Ltmp6:
0x56: {  	_ = 	snop;
	(pc) =	sbr.rel .LBB2_6-.Ltmp6, $1  }
0x57: {  	_ =	sdelay $0x3  }
.LBB2_7:
0x58: {  	_ =	sfence.sel $0x180000  }
0x59: {  	[bflag:$0x0] =	sbarrier.arrive $0xFFFF  }
0x5a: {  	_ =	strace $0x90000047  }
0x5b: {  	s0 =	stileid.u32;
	[bflag:$0x2] =	sbarrier.arrive $0xFFFF  }
0x5c: {  	p0 =	sne.s32 s0, $0x0;
	s0 =	rddreg [dreg:$0x5]  }
0x5d: {  	s0 =	sadd.s32 @!p0 $0x100000, s0  }
0x5e: {  	[sflag:s0] =	ssyncadd.tile.s32 @!p0 $0x1;
	_ =	shalt  }
.Lfunc_end2:
_tile_overlayer_lowered:
.L_overlay_start_2:
0x5f: {  	(tag) =	ssettag $0x2  }
0x60: {  	s0 =	rddreg [dreg:$0x0];
	s2 =	stileid.u32  }
0x61: {  	s1 =	rddreg [dreg:$0x1];
	p0 =	sne.s32 s2, $0x0  }
0x62: {  	s3 =	rddreg [dreg:$0x2];
	[bflag:$0x3] =	sbarrier.arrive $0xFFFF;
	s2 =	simm.s32 @!p0 $0x1C02  }
0x63: {  	[timem:s3], [sflag:s2] =	dma.local @!p0 [hbm:s0], s1  }
0x64: {  	s0 =	simm.s32 @!p0 $0x2  }
0x65: {  	_ =	swait.ge @!p0 [sflag:s0], s1  }
0x66: {  	s1 =	ssub.s32 @!p0 $0x0, s1;
	[sflag:s0] =	ssyncset.done @!p0 $0x0  }
0x67: {  	[sflag:s0] =	ssyncadd.s32 @!p0 s1  }
0x68: {  	[bflag:$0x3] =	sbarrier.arrive $0xFFFF  }
0x69: {  	_ =	shalt  }

</sc_bundles>
